<compile_context>
chip_gen: v7x
topology: tpu7x:2x2x1
jax: 0.10.2.dev20260603
libtpu: 0.0.44.dev20260713+nightly
codegen_flags: <defaults>
</compile_context>

<pallas_src>
import jax
import jax.numpy as jnp
from jax import lax
from jax.experimental import pallas as pl

_IN_CH = 128
_C = 512
_R = 1.0
_IOU = 0.5
_K = 64
_N = 20000
_NPAD = 20480
_NB = 2048
_CB = 64


def _d2_kernel(c_ref, p_ref, o_ref):
    c = c_ref[...]
    p = p_ref[...]
    cx = c[:, 0:1]
    cy = c[:, 1:2]
    cz = c[:, 2:3]
    px = p[0:1, :]
    py = p[1:2, :]
    pz = p[2:3, :]
    o_ref[...] = ((cx - px) ** 2 + (cy - py) ** 2) + (cz - pz) ** 2


def _head_kernel(x_ref, v_ref, w1_ref, b1_ref, w2_ref, b2_ref, w3_ref,
                 b3_ref, w4_ref, b4_ref, wf_ref, bf_ref, o_ref):
    x = x_ref[...]
    cb, k, f = x.shape
    x2 = x.reshape(cb * k, f)
    h = jnp.dot(x2, w1_ref[...], preferred_element_type=jnp.float32)
    h = jnp.maximum(h + b1_ref[...], 0.0)
    h = jnp.dot(h, w2_ref[...], preferred_element_type=jnp.float32)
    h = jnp.maximum(h + b2_ref[...], 0.0)
    h = h.reshape(cb, k, _IN_CH)
    valid = v_ref[...][:, :, None] > 0.0
    h = jnp.where(valid, h, -jnp.inf)
    g = jnp.max(h, axis=1)
    g = jnp.dot(g, w3_ref[...], preferred_element_type=jnp.float32)
    g = jnp.maximum(g + b3_ref[...], 0.0)
    g = jnp.dot(g, w4_ref[...], preferred_element_type=jnp.float32)
    g = jnp.maximum(g + b4_ref[...], 0.0)
    boxes = jnp.dot(g, wf_ref[...], preferred_element_type=jnp.float32)
    o_ref[...] = jax.nn.sigmoid(boxes + bf_ref[...])


def _fps(points, n_samples):
    N = points.shape[0]
    idxs0 = jnp.zeros((n_samples,), dtype=jnp.int32)
    dists0 = jnp.full((N,), jnp.inf, dtype=jnp.float32)

    def body(i, state):
        idxs, dists = state
        last = points[idxs[i - 1]]
        d = jnp.sum((points - last[None, :]) ** 2, axis=-1)
        dists = jnp.minimum(dists, d)
        idxs = idxs.at[i].set(jnp.argmax(dists).astype(jnp.int32))
        return (idxs, dists)

    idxs, _ = lax.fori_loop(1, n_samples, body, (idxs0, dists0))
    return idxs


def _nms_mask(coords, scores, thr):
    C = coords.shape[0]
    order = jnp.argsort(-scores)
    b = coords[order]
    mins = jnp.minimum(b[:, :3], b[:, 3:])
    maxs = jnp.maximum(b[:, :3], b[:, 3:])
    vol = jnp.prod(maxs - mins, axis=-1)
    ar = jnp.arange(C)

    def body(i, keep):
        lo = jnp.maximum(mins[i], mins)
        hi = jnp.minimum(maxs[i], maxs)
        inter = jnp.prod(jnp.clip(hi - lo, 0.0, None), axis=-1)
        iou = inter / (vol[i] + vol - inter + 1e-9)
        supp = (iou > thr) & (ar > i) & keep[i]
        return keep & (~supp)

    keep_sorted = lax.fori_loop(0, C, body, jnp.ones((C,), dtype=bool))
    keep = jnp.zeros((C,), dtype=bool).at[order].set(keep_sorted)
    return keep


def kernel(vote_points, vote_features, W1, b1, W2, b2, W3, b3, W4, b4, Wf, bf):
    pts = vote_points
    sampled = _fps(lax.stop_gradient(pts), _C)
    centers = pts[sampled]

    pad = jnp.full((_NPAD - _N, 3), 1e8, dtype=jnp.float32)
    pts_t = jnp.concatenate([pts, pad], axis=0).T
    d2 = pl.pallas_call(
        _d2_kernel,
        grid=(_NPAD // _NB,),
        in_specs=[
            pl.BlockSpec((_C, 3), lambda i: (0, 0)),
            pl.BlockSpec((3, _NB), lambda i: (0, i)),
        ],
        out_specs=pl.BlockSpec((_C, _NB), lambda i: (0, i)),
        out_shape=jax.ShapeDtypeStruct((_C, _NPAD), jnp.float32),
    )(centers, pts_t)

    neg_d, nbr = lax.top_k(-d2[:, :_N], _K)
    valid = ((-neg_d) <= _R * _R).astype(jnp.float32)

    grouped_pts = pts[nbr]
    grouped_feat = vote_features[nbr]
    rel = centers[:, None, :] - grouped_pts / _R
    x = jnp.concatenate([rel, grouped_feat], axis=-1)

    row = lambda a: a.reshape(1, -1)
    full = lambda s: pl.BlockSpec(s, lambda i: (0, 0))
    sb = pl.pallas_call(
        _head_kernel,
        grid=(_C // _CB,),
        in_specs=[
            pl.BlockSpec((_CB, _K, 3 + _IN_CH), lambda i: (i, 0, 0)),
            pl.BlockSpec((_CB, _K), lambda i: (i, 0)),
            full((3 + _IN_CH, _IN_CH)), full((1, _IN_CH)),
            full((_IN_CH, _IN_CH)), full((1, _IN_CH)),
            full((_IN_CH, _IN_CH)), full((1, _IN_CH)),
            full((_IN_CH, _IN_CH)), full((1, _IN_CH)),
            full((_IN_CH, 7)), full((1, 7)),
        ],
        out_specs=pl.BlockSpec((_CB, 7), lambda i: (i, 0)),
        out_shape=jax.ShapeDtypeStruct((_C, 7), jnp.float32),
    )(x, valid, W1, row(b1), W2, row(b2), W3, row(b3), W4, row(b4),
      Wf, row(bf))

    box_scores = sb[:, 0]
    box_coords = sb[:, 1:]
    keep = _nms_mask(lax.stop_gradient(box_coords),
                     lax.stop_gradient(box_scores), _IOU)
    final = jnp.concatenate([box_scores[:, None], box_coords], axis=1)
    return final * keep[:, None].astype(jnp.float32)

# --- scband reference (transcript-rebuilt; emitter-appended) ---
"""Pipeline reference for scband-detection-head-40613210751460 (READ-ONLY COPY).

The authoritative reference and input builder live on the scoring server;
editing this copy changes nothing except your own understanding.
"""

import jax
import jax.numpy as jnp
import numpy as np
from jax import lax

IN_CH = 128
NUM_CLUSTERS = 512
RADIUS = 1.0
IOU_THR = 0.5
K_NEIGH = 64
N_PTS = 20000


def setup_inputs(seed: int = 0) -> dict:
    key = jax.random.key(seed)
    ks = jax.random.split(key, 12)
    d = IN_CH
    s1 = 1.0 / np.sqrt(3 + d)
    s2 = 1.0 / np.sqrt(d)
    inp = {
        'vote_points': jax.random.normal(ks[0], (N_PTS, 3), dtype=jnp.float32),
        'vote_features': jax.random.normal(ks[1], (N_PTS, d), dtype=jnp.float32),
        'W1': jax.random.normal(ks[2], (3 + d, d), dtype=jnp.float32) * s1,
        'b1': jnp.zeros((d,), dtype=jnp.float32),
        'W2': jax.random.normal(ks[3], (d, d), dtype=jnp.float32) * s2,
        'b2': jnp.zeros((d,), dtype=jnp.float32),
        'W3': jax.random.normal(ks[4], (d, d), dtype=jnp.float32) * s2,
        'b3': jnp.zeros((d,), dtype=jnp.float32),
        'W4': jax.random.normal(ks[5], (d, d), dtype=jnp.float32) * s2,
        'b4': jnp.zeros((d,), dtype=jnp.float32),
        'Wf': jax.random.normal(ks[6], (d, 7), dtype=jnp.float32) * s2,
        'bf': jnp.zeros((7,), dtype=jnp.float32),
    }
    return inp


def fps(points, n_samples):
    # farthest point sampling; points are non-differentiable here
    N = points.shape[0]
    idxs0 = jnp.zeros((n_samples,), dtype=jnp.int32)
    dists0 = jnp.full((N,), jnp.inf, dtype=jnp.float32)

    def body(i, state):
        idxs, dists = state
        last = points[idxs[i - 1]]
        d = jnp.sum((points - last[None, :]) ** 2, axis=-1)
        dists = jnp.minimum(dists, d)
        idxs = idxs.at[i].set(jnp.argmax(dists).astype(jnp.int32))
        return (idxs, dists)

    idxs, _ = lax.fori_loop(1, n_samples, body, (idxs0, dists0))
    return idxs


def nms_mask(coords, scores, thr):
    # axis-aligned 3D greedy NMS over boxes given as two corners (first 3 / last 3 dims)
    C = coords.shape[0]
    order = jnp.argsort(-scores)
    b = coords[order]
    mins = jnp.minimum(b[:, :3], b[:, 3:])
    maxs = jnp.maximum(b[:, :3], b[:, 3:])
    vol = jnp.prod(maxs - mins, axis=-1)
    ar = jnp.arange(C)

    def body(i, keep):
        lo = jnp.maximum(mins[i], mins)
        hi = jnp.minimum(maxs[i], maxs)
        inter = jnp.prod(jnp.clip(hi - lo, 0.0, None), axis=-1)
        iou = inter / (vol[i] + vol - inter + 1e-9)
        supp = (iou > thr) & (ar > i) & keep[i]
        return keep & (~supp)

    keep_sorted = lax.fori_loop(0, C, body, jnp.ones((C,), dtype=bool))
    keep = jnp.zeros((C,), dtype=bool).at[order].set(keep_sorted)
    return keep


def reference(vote_points, vote_features, W1, b1, W2, b2, W3, b3, W4, b4, Wf, bf):
    pts_sg = lax.stop_gradient(vote_points)
    sampled = fps(pts_sg, NUM_CLUSTERS)
    cluster_points = vote_points[sampled]

    # radius grouping: K nearest within radius (ball query with max-sample cap)
    centers_sg = pts_sg[sampled]
    d2 = jnp.sum((centers_sg[:, None, :] - pts_sg[None, :, :]) ** 2, axis=-1)  # [C, N]
    neg_d, nbr = lax.top_k(-d2, K_NEIGH)  # K nearest per cluster
    dist_k = jnp.sqrt(jnp.maximum(-neg_d, 0.0))
    valid = dist_k <= RADIUS  # [C, K]

    grouped_pts = vote_points[nbr]          # [C, K, 3]
    grouped_feat = vote_features[nbr]       # [C, K, d]
    # faithful to torch: center - points / radius (precedence!)
    rel = cluster_points[:, None, :] - grouped_pts / RADIUS
    x = jnp.concatenate([rel, grouped_feat], axis=-1)  # [C, K, 3+d]

    h = jax.nn.relu(x @ W1 + b1)
    h = jax.nn.relu(h @ W2 + b2)
    h = jnp.where(valid[:, :, None], h, -jnp.inf)
    g = jnp.max(h, axis=1)                   # max-pool over group
    g = jax.nn.relu(g @ W3 + b3)
    g = jax.nn.relu(g @ W4 + b4)

    boxes = g @ Wf + bf                      # [C, 7]
    box_scores = jax.nn.sigmoid(boxes[:, 0])
    box_coords = jax.nn.sigmoid(boxes[:, 1:])

    keep = nms_mask(lax.stop_gradient(box_coords), lax.stop_gradient(box_scores), IOU_THR)
    final_boxes = jnp.concatenate([box_scores[:, None], box_coords], axis=1) * keep[:, None].astype(jnp.float32)
    return final_boxes

if __name__ == "__main__":
    import jax
    _d = setup_inputs()
    print(jax.jit(kernel)(*tuple(_d.values())))

</pallas_src>

<mosaic_0001>
module attributes {stable_mosaic.version = 14 : i64} {
  func.func @_d2_kernel(%arg0: i32, %arg1: memref<512x3xf32, #tpu.memory_space<vmem>>, %arg2: memref<3x2048xf32, #tpu.memory_space<vmem>>, %arg3: memref<512x2048xf32, #tpu.memory_space<vmem>>) attributes {dimension_semantics = [#tpu.dimension_semantics<arbitrary>], iteration_bounds = array<i64: 10>, scalar_prefetch = 0 : i64, scratch_operands = 0 : i64, tpu.core_type = #tpu.core_type<tc>, window_params = [{pipeline_mode = #tpu.pipeline_mode<synchronous>, transform_indices = @transform_0, window_bounds = array<i64: 512, 3>}, {transform_indices = @transform_1, window_bounds = array<i64: 3, 2048>}, {transform_indices = @transform_2, window_bounds = array<i64: 512, 2048>}]} {
    %get3A = arith.constant 0 : index
    %get3A_0 = arith.constant 0 : index
    %get3A_1 = vector.load %arg1[%get3A, %get3A_0] : memref<512x3xf32, #tpu.memory_space<vmem>>, vector<512x3xf32>
    %get3A_2 = arith.constant 0 : index
    %get3A_3 = arith.constant 0 : index
    %get3A_4 = vector.load %arg2[%get3A_2, %get3A_3] : memref<3x2048xf32, #tpu.memory_space<vmem>>, vector<3x2048xf32>
    %slice3A = vector.extract_strided_slice %get3A_1 {offsets = [0, 0], sizes = [512, 1], strides = [1, 1]} : vector<512x3xf32> to vector<512x1xf32>
    %slice3A_5 = vector.extract_strided_slice %get3A_1 {offsets = [0, 1], sizes = [512, 1], strides = [1, 1]} : vector<512x3xf32> to vector<512x1xf32>
    %slice3A_6 = vector.extract_strided_slice %get3A_1 {offsets = [0, 2], sizes = [512, 1], strides = [1, 1]} : vector<512x3xf32> to vector<512x1xf32>
    %slice3A_7 = vector.extract_strided_slice %get3A_4 {offsets = [0, 0], sizes = [1, 2048], strides = [1, 1]} : vector<3x2048xf32> to vector<1x2048xf32>
    %slice3A_8 = vector.extract_strided_slice %get3A_4 {offsets = [1, 0], sizes = [1, 2048], strides = [1, 1]} : vector<3x2048xf32> to vector<1x2048xf32>
    %slice3A_9 = vector.extract_strided_slice %get3A_4 {offsets = [2, 0], sizes = [1, 2048], strides = [1, 1]} : vector<3x2048xf32> to vector<1x2048xf32>
    %sub3A = vector.broadcast %slice3A : vector<512x1xf32> to vector<512x2048xf32>
    %sub3A_10 = vector.broadcast %slice3A_7 : vector<1x2048xf32> to vector<512x2048xf32>
    %sub3A_11 = arith.subf %sub3A, %sub3A_10 : vector<512x2048xf32>
    %integer_pow3A = arith.mulf %sub3A_11, %sub3A_11 : vector<512x2048xf32>
    %sub3A_12 = vector.broadcast %slice3A_5 : vector<512x1xf32> to vector<512x2048xf32>
    %sub3A_13 = vector.broadcast %slice3A_8 : vector<1x2048xf32> to vector<512x2048xf32>
    %sub3A_14 = arith.subf %sub3A_12, %sub3A_13 : vector<512x2048xf32>
    %integer_pow3A_15 = arith.mulf %sub3A_14, %sub3A_14 : vector<512x2048xf32>
    %add3A = arith.addf %integer_pow3A, %integer_pow3A_15 : vector<512x2048xf32>
    %sub3A_16 = vector.broadcast %slice3A_6 : vector<512x1xf32> to vector<512x2048xf32>
    %sub3A_17 = vector.broadcast %slice3A_9 : vector<1x2048xf32> to vector<512x2048xf32>
    %sub3A_18 = arith.subf %sub3A_16, %sub3A_17 : vector<512x2048xf32>
    %integer_pow3A_19 = arith.mulf %sub3A_18, %sub3A_18 : vector<512x2048xf32>
    %add3A_20 = arith.addf %add3A, %integer_pow3A_19 : vector<512x2048xf32>
    %swap3A = arith.constant 0 : index
    %swap3A_21 = arith.constant 0 : index
    %swap3A_22 = vector.load %arg3[%swap3A, %swap3A_21] : memref<512x2048xf32, #tpu.memory_space<vmem>>, vector<512x2048xf32>
    tpu.vector_store %arg3[%swap3A, %swap3A_21], %add3A_20 {strides = array<i32>} : memref<512x2048xf32, #tpu.memory_space<vmem>>, vector<512x2048xf32>,
    return
  }
  func.func @transform_0(%arg0: i32) -> (i32, i32) {
    %c0_i32 = arith.constant 0 : i32
    %c0_i32_0 = arith.constant 0 : i32
    %c0_i32_1 = arith.constant 0 : i32
    return %c0_i32, %c0_i32_0 : i32, i32
  }
  func.func @transform_1(%arg0: i32) -> (i32, i32) {
    %c0_i32 = arith.constant 0 : i32
    %c0_i32_0 = arith.constant 0 : i32
    return %c0_i32, %arg0 : i32, i32
  }
  func.func @transform_2(%arg0: i32) -> (i32, i32) {
    %c0_i32 = arith.constant 0 : i32
    %c0_i32_0 = arith.constant 0 : i32
    return %c0_i32, %arg0 : i32, i32
  }
}

module attributes {stable_mosaic.version = 14 : i64} {
  func.func @_head_kernel(%arg0: i32, %arg1: memref<64x64x131xf32, #tpu.memory_space<vmem>>, %arg2: memref<64x64xf32, #tpu.memory_space<vmem>>, %arg3: memref<131x128xf32, #tpu.memory_space<vmem>>, %arg4: memref<1x128xf32, #tpu.memory_space<vmem>>, %arg5: memref<128x128xf32, #tpu.memory_space<vmem>>, %arg6: memref<1x128xf32, #tpu.memory_space<vmem>>, %arg7: memref<128x128xf32, #tpu.memory_space<vmem>>, %arg8: memref<1x128xf32, #tpu.memory_space<vmem>>, %arg9: memref<128x128xf32, #tpu.memory_space<vmem>>, %arg10: memref<1x128xf32, #tpu.memory_space<vmem>>, %arg11: memref<128x7xf32, #tpu.memory_space<vmem>>, %arg12: memref<1x7xf32, #tpu.memory_space<vmem>>, %arg13: memref<64x7xf32, #tpu.memory_space<vmem>>) attributes {dimension_semantics = [#tpu.dimension_semantics<arbitrary>], iteration_bounds = array<i64: 8>, scalar_prefetch = 0 : i64, scratch_operands = 0 : i64, tpu.core_type = #tpu.core_type<tc>, window_params = [{transform_indices = @transform_0, window_bounds = array<i64: 64, 64, 131>}, {transform_indices = @transform_1, window_bounds = array<i64: 64, 64>}, {pipeline_mode = #tpu.pipeline_mode<synchronous>, transform_indices = @transform_2, window_bounds = array<i64: 131, 128>}, {pipeline_mode = #tpu.pipeline_mode<synchronous>, transform_indices = @transform_3, window_bounds = array<i64: 1, 128>}, {pipeline_mode = #tpu.pipeline_mode<synchronous>, transform_indices = @transform_4, window_bounds = array<i64: 128, 128>}, {pipeline_mode = #tpu.pipeline_mode<synchronous>, transform_indices = @transform_5, window_bounds = array<i64: 1, 128>}, {pipeline_mode = #tpu.pipeline_mode<synchronous>, transform_indices = @transform_6, window_bounds = array<i64: 128, 128>}, {pipeline_mode = #tpu.pipeline_mode<synchronous>, transform_indices = @transform_7, window_bounds = array<i64: 1, 128>}, {pipeline_mode = #tpu.pipeline_mode<synchronous>, transform_indices = @transform_8, window_bounds = array<i64: 128, 128>}, {pipeline_mode = #tpu.pipeline_mode<synchronous>, transform_indices = @transform_9, window_bounds = array<i64: 1, 128>}, {pipeline_mode = #tpu.pipeline_mode<synchronous>, transform_indices = @transform_10, window_bounds = array<i64: 128, 7>}, {pipeline_mode = #tpu.pipeline_mode<synchronous>, transform_indices = @transform_11, window_bounds = array<i64: 1, 7>}, {transform_indices = @transform_12, window_bounds = array<i64: 64, 7>}]} {
    %get3A = arith.constant 0 : index
    %get3A_0 = arith.constant 0 : index
    %get3A_1 = arith.constant 0 : index
    %get3A_2 = vector.load %arg1[%get3A, %get3A_0, %get3A_1] : memref<64x64x131xf32, #tpu.memory_space<vmem>>, vector<64x64x131xf32>
    %reshape3A = vector.shape_cast %get3A_2 : vector<64x64x131xf32> to vector<4096x131xf32>
    %get3A_3 = arith.constant 0 : index
    %get3A_4 = arith.constant 0 : index
    %get3A_5 = vector.load %arg3[%get3A_3, %get3A_4] : memref<131x128xf32, #tpu.memory_space<vmem>>, vector<131x128xf32>
    %dot_general3A = arith.constant dense<0.000000e+00> : vector<4096x128xf32>
    %dot_general3A_6 = tpu.matmul %reshape3A, %get3A_5, %dot_general3A {dimension_numbers = #tpu.dot_dimension_numbers<[1], [0], [0], [1], [0, 0, 1, 1], [], []>, transpose_lhs_hint = false} : vector<4096x131xf32>, vector<131x128xf32>, vector<4096x128xf32> -> vector<4096x128xf32>
    %get3A_7 = arith.constant 0 : index
    %get3A_8 = arith.constant 0 : index
    %get3A_9 = vector.load %arg4[%get3A_7, %get3A_8] : memref<1x128xf32, #tpu.memory_space<vmem>>, vector<1x128xf32>
    %add3A = vector.broadcast %get3A_9 : vector<1x128xf32> to vector<4096x128xf32>
    %add3A_10 = arith.addf %dot_general3A_6, %add3A : vector<4096x128xf32>
    %max3A = arith.constant 0.000000e+00 : f32
    %max3A_11 = vector.broadcast %max3A : f32 to vector<4096x128xf32>
    %max3A_12 = arith.maximumf %add3A_10, %max3A_11 : vector<4096x128xf32>
    %get3A_13 = arith.constant 0 : index
    %get3A_14 = arith.constant 0 : index
    %get3A_15 = vector.load %arg5[%get3A_13, %get3A_14] : memref<128x128xf32, #tpu.memory_space<vmem>>, vector<128x128xf32>
    %dot_general3A_16 = arith.constant dense<0.000000e+00> : vector<4096x128xf32>
    %dot_general3A_17 = tpu.matmul %max3A_12, %get3A_15, %dot_general3A_16 {dimension_numbers = #tpu.dot_dimension_numbers<[1], [0], [0], [1], [0, 0, 1, 1], [], []>, transpose_lhs_hint = false} : vector<4096x128xf32>, vector<128x128xf32>, vector<4096x128xf32> -> vector<4096x128xf32>
    %get3A_18 = arith.constant 0 : index
    %get3A_19 = arith.constant 0 : index
    %get3A_20 = vector.load %arg6[%get3A_18, %get3A_19] : memref<1x128xf32, #tpu.memory_space<vmem>>, vector<1x128xf32>
    %add3A_21 = vector.broadcast %get3A_20 : vector<1x128xf32> to vector<4096x128xf32>
    %add3A_22 = arith.addf %dot_general3A_17, %add3A_21 : vector<4096x128xf32>
    %max3A_23 = arith.constant 0.000000e+00 : f32
    %max3A_24 = vector.broadcast %max3A_23 : f32 to vector<4096x128xf32>
    %max3A_25 = arith.maximumf %add3A_22, %max3A_24 : vector<4096x128xf32>
    %reshape3A_26 = vector.shape_cast %max3A_25 : vector<4096x128xf32> to vector<64x64x128xf32>
    %get3A_27 = arith.constant 0 : index
    %get3A_28 = arith.constant 0 : index
    %get3A_29 = vector.load %arg2[%get3A_27, %get3A_28] : memref<64x64xf32, #tpu.memory_space<vmem>>, vector<64x64xf32>
    %broadcast_in_dim3A = vector.shape_cast %get3A_29 : vector<64x64xf32> to vector<64x64x1xf32>
    %gt3A = arith.constant 0.000000e+00 : f32
    %gt3A_30 = vector.broadcast %gt3A : f32 to vector<64x64x1xf32>
    %gt3A_31 = arith.cmpf ogt, %broadcast_in_dim3A, %gt3A_30 : vector<64x64x1xf32>
    %jit3A = arith.constant 0xFF800000 : f32
    %broadcast_in_dim3A_32 = vector.shape_cast %gt3A_31 : vector<64x64x1xi1> to vector<64x64x1xi1>
    %broadcast_in_dim3A_33 = vector.broadcast %broadcast_in_dim3A_32 : vector<64x64x1xi1> to vector<64x64x128xi1>
    %broadcast_in_dim3A_34 = vector.broadcast %jit3A : f32 to vector<64x64x128xf32>
    %select_n3A = arith.select %broadcast_in_dim3A_33, %reshape3A_26, %broadcast_in_dim3A_34 : vector<64x64x128xi1>, vector<64x64x128xf32>
    %reduce_max3A = arith.constant dense<0xFF800000> : vector<64x128xf32>
    %reduce_max3A_35 = vector.multi_reduction <maximumf>, %select_n3A, %reduce_max3A [1] : vector<64x64x128xf32> to vector<64x128xf32>
    %get3A_36 = arith.constant 0 : index
    %get3A_37 = arith.constant 0 : index
    %get3A_38 = vector.load %arg7[%get3A_36, %get3A_37] : memref<128x128xf32, #tpu.memory_space<vmem>>, vector<128x128xf32>
    %dot_general3A_39 = arith.constant dense<0.000000e+00> : vector<64x128xf32>
    %dot_general3A_40 = tpu.matmul %reduce_max3A_35, %get3A_38, %dot_general3A_39 {dimension_numbers = #tpu.dot_dimension_numbers<[1], [0], [0], [1], [0, 0, 1, 1], [], []>, transpose_lhs_hint = false} : vector<64x128xf32>, vector<128x128xf32>, vector<64x128xf32> -> vector<64x128xf32>
    %get3A_41 = arith.constant 0 : index
    %get3A_42 = arith.constant 0 : index
    %get3A_43 = vector.load %arg8[%get3A_41, %get3A_42] : memref<1x128xf32, #tpu.memory_space<vmem>>, vector<1x128xf32>
    %add3A_44 = vector.broadcast %get3A_43 : vector<1x128xf32> to vector<64x128xf32>
    %add3A_45 = arith.addf %dot_general3A_40, %add3A_44 : vector<64x128xf32>
    %max3A_46 = arith.constant 0.000000e+00 : f32
    %max3A_47 = vector.broadcast %max3A_46 : f32 to vector<64x128xf32>
    %max3A_48 = arith.maximumf %add3A_45, %max3A_47 : vector<64x128xf32>
    %get3A_49 = arith.constant 0 : index
    %get3A_50 = arith.constant 0 : index
    %get3A_51 = vector.load %arg9[%get3A_49, %get3A_50] : memref<128x128xf32, #tpu.memory_space<vmem>>, vector<128x128xf32>
    %dot_general3A_52 = arith.constant dense<0.000000e+00> : vector<64x128xf32>
    %dot_general3A_53 = tpu.matmul %max3A_48, %get3A_51, %dot_general3A_52 {dimension_numbers = #tpu.dot_dimension_numbers<[1], [0], [0], [1], [0, 0, 1, 1], [], []>, transpose_lhs_hint = false} : vector<64x128xf32>, vector<128x128xf32>, vector<64x128xf32> -> vector<64x128xf32>
    %get3A_54 = arith.constant 0 : index
    %get3A_55 = arith.constant 0 : index
    %get3A_56 = vector.load %arg10[%get3A_54, %get3A_55] : memref<1x128xf32, #tpu.memory_space<vmem>>, vector<1x128xf32>
    %add3A_57 = vector.broadcast %get3A_56 : vector<1x128xf32> to vector<64x128xf32>
    %add3A_58 = arith.addf %dot_general3A_53, %add3A_57 : vector<64x128xf32>
    %max3A_59 = arith.constant 0.000000e+00 : f32
    %max3A_60 = vector.broadcast %max3A_59 : f32 to vector<64x128xf32>
    %max3A_61 = arith.maximumf %add3A_58, %max3A_60 : vector<64x128xf32>
    %get3A_62 = arith.constant 0 : index
    %get3A_63 = arith.constant 0 : index
    %get3A_64 = vector.load %arg11[%get3A_62, %get3A_63] : memref<128x7xf32, #tpu.memory_space<vmem>>, vector<128x7xf32>
    %dot_general3A_65 = arith.constant dense<0.000000e+00> : vector<64x7xf32>
    %dot_general3A_66 = tpu.matmul %max3A_61, %get3A_64, %dot_general3A_65 {dimension_numbers = #tpu.dot_dimension_numbers<[1], [0], [0], [1], [0, 0, 1, 1], [], []>, transpose_lhs_hint = false} : vector<64x128xf32>, vector<128x7xf32>, vector<64x7xf32> -> vector<64x7xf32>
    %get3A_67 = arith.constant 0 : index
    %get3A_68 = arith.constant 0 : index
    %get3A_69 = vector.load %arg12[%get3A_67, %get3A_68] : memref<1x7xf32, #tpu.memory_space<vmem>>, vector<1x7xf32>
    %add3A_70 = vector.broadcast %get3A_69 : vector<1x7xf32> to vector<64x7xf32>
    %add3A_71 = arith.addf %dot_general3A_66, %add3A_70 : vector<64x7xf32>
    %logistic3A = arith.negf %add3A_71 : vector<64x7xf32>
    %logistic3A_72 = math.exp %logistic3A : vector<64x7xf32>
    %logistic3A_73 = arith.constant 1.000000e+00 : f32
    %logistic3A_74 = vector.broadcast %logistic3A_73 : f32 to vector<64x7xf32>
    %logistic3A_75 = arith.addf %logistic3A_74, %logistic3A_72 : vector<64x7xf32>
    %logistic3A_76 = arith.divf %logistic3A_74, %logistic3A_75 : vector<64x7xf32>
    %swap3A = arith.constant 0 : index
    %swap3A_77 = arith.constant 0 : index
    %swap3A_78 = vector.load %arg13[%swap3A, %swap3A_77] : memref<64x7xf32, #tpu.memory_space<vmem>>, vector<64x7xf32>
    tpu.vector_store %arg13[%swap3A, %swap3A_77], %logistic3A_76 {strides = array<i32>} : memref<64x7xf32, #tpu.memory_space<vmem>>, vector<64x7xf32>,
    return
  }
  func.func @transform_0(%arg0: i32) -> (i32, i32, i32) {
    %c0_i32 = arith.constant 0 : i32
    %c0_i32_0 = arith.constant 0 : i32
    %c0_i32_1 = arith.constant 0 : i32
    return %arg0, %c0_i32, %c0_i32_0 : i32, i32, i32
  }
  func.func @transform_1(%arg0: i32) -> (i32, i32) {
    %c0_i32 = arith.constant 0 : i32
    %c0_i32_0 = arith.constant 0 : i32
    return %arg0, %c0_i32 : i32, i32
  }
  func.func @transform_2(%arg0: i32) -> (i32, i32) {
    %c0_i32 = arith.constant 0 : i32
    %c0_i32_0 = arith.constant 0 : i32
    %c0_i32_1 = arith.constant 0 : i32
    return %c0_i32, %c0_i32_0 : i32, i32
  }
  func.func @transform_3(%arg0: i32) -> (i32, i32) {
    %c0_i32 = arith.constant 0 : i32
    %c0_i32_0 = arith.constant 0 : i32
    %c0_i32_1 = arith.constant 0 : i32
    return %c0_i32, %c0_i32_0 : i32, i32
  }
  func.func @transform_4(%arg0: i32) -> (i32, i32) {
    %c0_i32 = arith.constant 0 : i32
    %c0_i32_0 = arith.constant 0 : i32
    %c0_i32_1 = arith.constant 0 : i32
    return %c0_i32, %c0_i32_0 : i32, i32
  }
  func.func @transform_5(%arg0: i32) -> (i32, i32) {
    %c0_i32 = arith.constant 0 : i32
    %c0_i32_0 = arith.constant 0 : i32
    %c0_i32_1 = arith.constant 0 : i32
    return %c0_i32, %c0_i32_0 : i32, i32
  }
  func.func @transform_6(%arg0: i32) -> (i32, i32) {
    %c0_i32 = arith.constant 0 : i32
    %c0_i32_0 = arith.constant 0 : i32
    %c0_i32_1 = arith.constant 0 : i32
    return %c0_i32, %c0_i32_0 : i32, i32
  }
  func.func @transform_7(%arg0: i32) -> (i32, i32) {
    %c0_i32 = arith.constant 0 : i32
    %c0_i32_0 = arith.constant 0 : i32
    %c0_i32_1 = arith.constant 0 : i32
    return %c0_i32, %c0_i32_0 : i32, i32
  }
  func.func @transform_8(%arg0: i32) -> (i32, i32) {
    %c0_i32 = arith.constant 0 : i32
    %c0_i32_0 = arith.constant 0 : i32
    %c0_i32_1 = arith.constant 0 : i32
    return %c0_i32, %c0_i32_0 : i32, i32
  }
  func.func @transform_9(%arg0: i32) -> (i32, i32) {
    %c0_i32 = arith.constant 0 : i32
    %c0_i32_0 = arith.constant 0 : i32
    %c0_i32_1 = arith.constant 0 : i32
    return %c0_i32, %c0_i32_0 : i32, i32
  }
  func.func @transform_10(%arg0: i32) -> (i32, i32) {
    %c0_i32 = arith.constant 0 : i32
    %c0_i32_0 = arith.constant 0 : i32
    %c0_i32_1 = arith.constant 0 : i32
    return %c0_i32, %c0_i32_0 : i32, i32
  }
  func.func @transform_11(%arg0: i32) -> (i32, i32) {
    %c0_i32 = arith.constant 0 : i32
    %c0_i32_0 = arith.constant 0 : i32
    %c0_i32_1 = arith.constant 0 : i32
    return %c0_i32, %c0_i32_0 : i32, i32
  }
  func.func @transform_12(%arg0: i32) -> (i32, i32) {
    %c0_i32 = arith.constant 0 : i32
    %c0_i32_0 = arith.constant 0 : i32
    return %arg0, %c0_i32 : i32, i32
  }
}

</mosaic_0001>

<sc_bundles>
// kernel: gather_offload_async_start.1
scs
__scs_entry_jumppad:
0x0: {  	(pc) =	sbr.rel $0x88, $3  }
0x1: {  	(tag) =	ssettag $0x0;
	lr =	simm.s32 $0x1  }
0x2: {  	[smem:$0x3F95] =	sst lr;
	_ =	strace $0xD0000000  }
0x3: {  	_ = 	snop  }
0x4: {  	_ = 	snop  }
0x5: {  	_ = 	snop  }
0x6: {  	_ = 	snop  }
0x7: {  	_ = 	snop  }
__scs_overlays_trampoline_lowered:
0x8: {  	[smem:$0x3FA4] =	sst s0  }
0x9: {  	[smem:$0x3FA5] =	sst s1  }
0xa: {  	[smem:$0x3FA6] =	sst s2  }
0xb: {  	[smem:$0x3FA7] =	sst s3  }
0xc: {  	[smem:$0x3FA8] =	sst s4  }
0xd: {  	[smem:$0x3FA9] =	sst s5  }
0xe: {  	[smem:$0x3FAA] =	sst s6  }
0xf: {  	[smem:$0x3FAB] =	sst s7  }
0x10: {  	[smem:$0x3FAC] =	sst s8  }
0x11: {  	[smem:$0x3FAD] =	sst s9;
	s0 =	simm.s32 @!p0 $0x0  }
0x12: {  	s1 =	sld [smem:$0x3F93];
	s0 =	simm.s32 @p0 $0x1  }
0x13: {  	[smem:$0x3FAE] =	sst s0;
	s0 =	simm.s32 @!p1 $0x0  }
0x14: {  	s2 =	sld [smem:$0x3F92];
	s0 =	simm.s32 @p1 $0x1  }
0x15: {  	[smem:$0x3FAF] =	sst s0;
	s0 =	simm.s32 @!p2 $0x0  }
0x16: {  	s3 =	sld [smem:$0x3FDB];
	s0 =	simm.s32 @p2 $0x1  }
0x17: {  	s4 =	simm.s32 $0x1BF5;
	[smem:$0x3FB1] =	sst s0  }
0x18: {  	s0 =	sld [smem:$0x3F94];
	_ =	swait.ge [sflag:s4], $0x0  }
0x19: {  	s7 =	sld [smem:$0x3F95]  }
0x1a: {  	s8 =	sadd.s32 $0xFFFFE003, lr  }
0x1b: {  	s9 =	sadd.s32 $0xFFFFFEF7, lr;
	s5 =	simm.s32 $0xFFFFFFFF;
	p2 =	slt.u32 s8, $0xFFFFF086  }
0x1c: {  	p1 =	slt.u32 s9, $0xF7A;
	s5 =	simm.s32 @!p2 $0x0  }
0x1d: {  	s5 =	simm.s32 @p1 $0x1;
	p0 =	seq.s32 s7, s2  }
0x1e: {  	s7 =	smul.u32 @!p0 $0xF7A, s2;
	p2 =	seq.s32 @!p0 s5, $0x0  }
0x1f: {  	s9 =	smul.u32 $0xF7A, s1;
	s8 =	simm.s32 @!p0 $0x1BF5;
	p2 =	por !p2, p0  }
0x20: {  	[sflag:s8] =	ssyncset.s32 @!p0 $0xFFFFF086;
	s6 =	sadd.s32 @!p0 s3, s7;
	s7 =	simm.s32 @!p0 $0x108  }
0x21: {  	s3 =	sadd.s32 s3, s9;
	s6 =	sadd.s32 @!p0 $0x88, s6;
	s7 =	simm.s32 @p2 $0x1082  }
0x22: {  	[simem:s7], [sflag:s8] =	dma.local @!p0 [hbm:s6], $0xF7A  }
0x23: {  	s9 =	sor.u32 $0xD0000000, s2;
	s6 =	simm.s32 $0x108;
	_ =	swait.ge @!p0 [sflag:s8], $0x0  }
0x24: {  	s3 =	sadd.s32 $0x88, s3;
	s6 =	simm.s32 @!p1 $0x1082;
	[sflag:s4] =	ssyncset.s32 $0xFFFFF086  }
0x25: {  	[simem:s6], [sflag:s4] =	dma.local [hbm:s3], $0xF7A  }
0x26: {  	[smem:$0x3F95] =	sst s1;
	(tag) =	ssettag s2;
	_ =	strace s9  }
0x27: {  	s1 =	sld [smem:$0x3FA5]  }
0x28: {  	s2 =	sld [smem:$0x3FA6]  }
0x29: {  	s4 =	sld [smem:$0x3FA8]  }
0x2a: {  	p0 =	seq.s32 s5, $0x0;
	s5 =	sld [smem:$0x3FA9]  }
0x2b: {  	s6 =	sld [smem:$0x3FAA]  }
0x2c: {  	s7 =	sld [smem:$0x3FAB]  }
0x2d: {  	s3 =	simm.s32 $0x108;
	s8 =	sld [smem:$0x3FAC]  }
0x2e: {  	s3 =	simm.s32 @!p0 $0x1082;
	s9 =	sld [smem:$0x3FAD]  }
0x2f: {  	lr =	sadd.s32 s0, s3;
	s0 =	sld [smem:$0x3FA4]  }
0x30: {  	s3 =	sld [smem:$0x3FA7]  }
0x31: {  	[smem:$0x3FB0] =	sst s10  }
0x32: {  	s10 =	sld [smem:$0x3FAE];
	_ =	sdelay $0x3  }
0x33: {  	p0 =	seq.s32 s10, $0x1;
	s10 =	sld [smem:$0x3FB0];
	_ =	sdelay $0x3  }
0x34: {  	[smem:$0x3FB0] =	sst s10  }
0x35: {  	s10 =	sld [smem:$0x3FAF];
	_ =	sdelay $0x3  }
0x36: {  	p1 =	seq.s32 s10, $0x1;
	s10 =	sld [smem:$0x3FB0];
	_ =	sdelay $0x3  }
0x37: {  	[smem:$0x3FB0] =	sst s10  }
0x38: {  	s10 =	sld [smem:$0x3FB1]  }
0x39: {  	_ = 	snop;
	(pc) =	sbr.ind lr, $3  }
0x3a: {  	_ = 	snop  }
0x3b: {  	_ = 	snop  }
0x3c: {  	p2 =	seq.s32 s10, $0x1;
	s10 =	sld [smem:$0x3FB0]  }
0x3d: {  	_ =	shalt  }
0x3e: {  	_ =	shalt  }
0x3f: {  	_ =	shalt  }
0x40: {  	_ =	shalt  }
0x41: {  	_ =	shalt  }
0x42: {  	_ =	shalt  }
0x43: {  	_ =	shalt  }
0x44: {  	_ =	shalt  }
0x45: {  	_ =	shalt  }
0x46: {  	_ =	shalt  }
0x47: {  	_ =	shalt  }
0x48: {  	_ =	shalt  }
0x49: {  	_ =	shalt  }
0x4a: {  	_ =	shalt  }
0x4b: {  	_ =	shalt  }
0x4c: {  	_ =	shalt  }
0x4d: {  	_ =	shalt  }
0x4e: {  	_ =	shalt  }
0x4f: {  	_ =	shalt  }
0x50: {  	_ =	shalt  }
0x51: {  	_ =	shalt  }
0x52: {  	_ =	shalt  }
0x53: {  	_ =	shalt  }
0x54: {  	_ =	shalt  }
0x55: {  	_ =	shalt  }
0x56: {  	_ =	shalt  }
0x57: {  	_ =	shalt  }
0x58: {  	_ =	shalt  }
0x59: {  	_ =	shalt  }
0x5a: {  	_ =	shalt  }
0x5b: {  	_ =	shalt  }
0x5c: {  	_ =	shalt  }
0x5d: {  	_ =	shalt  }
0x5e: {  	_ =	shalt  }
0x5f: {  	_ =	shalt  }
0x60: {  	_ =	shalt  }
0x61: {  	_ =	shalt  }
0x62: {  	_ =	shalt  }
0x63: {  	_ =	shalt  }
0x64: {  	_ =	shalt  }
0x65: {  	_ =	shalt  }
0x66: {  	_ =	shalt  }
0x67: {  	_ =	shalt  }
0x68: {  	_ =	shalt  }
0x69: {  	_ =	shalt  }
0x6a: {  	_ =	shalt  }
0x6b: {  	_ =	shalt  }
0x6c: {  	_ =	shalt  }
0x6d: {  	_ =	shalt  }
0x6e: {  	_ =	shalt  }
0x6f: {  	_ =	shalt  }
0x70: {  	_ =	shalt  }
0x71: {  	_ =	shalt  }
0x72: {  	_ =	shalt  }
0x73: {  	_ =	shalt  }
0x74: {  	_ =	shalt  }
0x75: {  	_ =	shalt  }
0x76: {  	_ =	shalt  }
0x77: {  	_ =	shalt  }
0x78: {  	_ =	shalt  }
0x79: {  	_ =	shalt  }
0x7a: {  	_ =	shalt  }
0x7b: {  	_ =	shalt  }
0x7c: {  	_ =	shalt  }
0x7d: {  	_ =	shalt  }
0x7e: {  	_ =	shalt  }
0x7f: {  	_ =	shalt  }
0x80: {  	_ =	shalt  }
0x81: {  	_ =	shalt  }
0x82: {  	_ =	shalt  }
0x83: {  	_ =	shalt  }
0x84: {  	_ =	shalt  }
0x85: {  	_ =	shalt  }
0x86: {  	_ =	shalt  }
0x87: {  	_ =	shalt  }
.Lfunc_end0:
.L_simem_size_0:
called_computation.1_lowered:
.L_overlay_start_0:
0x88: {  	s2 =	sld [smem:$0x3FD9]  }
0x89: {  	s3 =	sld [smem:$0x3FFE];
	_ =	sdelay $0x1  }
0x8a: {  	s1 =	srdreg.scid  }
0x8b: {  	s0 =	sand.u32 $0x1, s1  }
0x8c: {  	s17 =	sshll.u32 s0, $0xA;
	s2 =	sadd.s32 s3, s2  }
0x8d: {  	s2 =	sadd.s32 s2, s17  }
0x8e: {  	[smem:$0x3FBC] =	sst s2  }
0x8f: {  	_ = 	snop  }
0x90: {  	s18 =	sld [smem:$0x3FC8];
	(tm) =	ssettm $0x1  }
0x91: {  	s19 =	sld [smem:$0x3FFB];
	_ =	sdelay $0x3  }
0x92: {  	_ =	strace s19  }
0x93: {  	s2 =	sld [smem:$0x3FFC];
	_ =	sdelay $0x3  }
0x94: {  	_ =	strace s2  }
0x95: {  	s2 =	sld [smem:$0x3FFD];
	_ =	sdelay $0x3  }
0x96: {  	_ =	strace s2  }
0x97: {  	_ =	strace $0x8FFFFFFF  }
0x98: {  	s20 =	sld [smem:$0x3FDB];
	_ =	sdelay $0x1  }
0x99: {  	s4 =	simm.s32 $_scs_section_size  }
0x9a: {  	s5 =	simm.s32 $_size__tile_overlayer_lowered;
	s6 =	simm.s32 $_tile_overlayer_lowered  }
0x9b: {  	s7 =	simm.s32 $0x1BFF;
	s21 =	sshll.u32 s6, $0x1;
	s4 =	sadd.s32 s4, s20  }
0x9c: {  	s22 =	simm.s32 $0x0;
	s5 =	sshll.u32 s5, $0x1;
	s6 =	sadd.s32 s21, s4  }
0x9d: {  	[timem:s22], [sflag:s7] =	dma.local [hbm:s6], s5  }
0x9e: {  	_ =	swait.ge [sflag:s7], s5  }
0x9f: {  	s5 =	ssub.s32 $0x0, s5;
	[sflag:s7] =	ssyncset.done $0x0  }
0xa0: {  	[sflag:s7] =	ssyncadd.s32 s5;
	_ =	sdelay $0x1  }
0xa1: {  	s23 =	simm.s32 $0x1B8B  }
0xa2: {  	_ =	swait.ge [sflag:s23], $0x1  }
0xa3: {  	[sflag:s23] =	ssyncset.done $0x0  }
0xa4: {  	[sflag:s23] =	ssyncadd.s32 $0xFFFFFFFF  }
0xa5: {  	s5 =	sld [smem:$0x0]  }
0xa6: {  	s6 =	sand.u32 $0xFFFFFFFE, s1  }
0xa7: {  	p0 =	sne.s32 s1, s6  }
0xa8: {  	s6 =	sshll.u32 @p0 s6, $0xE  }
0xa9: {  	s6 =	sadd.s32 @p0 $0x11B8D, s6;
	s7 =	sshll.u32 @p0 s5, $0x11  }
0xaa: {  	s6 =	sor.u32 @p0 s7, s6  }
0xab: {  	[sflag:s6] =	ssyncadd.remote.s32 @p0 $0x1;
	_ =	sdelay $0x1  }
0xac: {  	s6 =	simm.s32 @p0 $0x1B8D  }
0xad: {  	_ =	swait.eq @p0 [sflag:s6], $0x1  }
0xae: {  	[sflag:s6] =	ssyncadd.s32 @p0 $0xFFFFFFFF  }
0xaf: {  	s7 =	sshll.u32 @!p0 s1, $0xE  }
0xb0: {  	s7 =	sor.u32 @!p0 $0x4000, s7;
	s6 =	simm.s32 @!p0 $0x1B8D  }
0xb1: {  	s5 =	sshll.u32 @!p0 s5, $0x11;
	s7 =	sadd.s32 @!p0 $0x11B8D, s7;
	_ =	swait.eq @!p0 [sflag:s6], $0x1  }
0xb2: {  	s5 =	sor.u32 @!p0 s5, s7;
	[sflag:s6] =	ssyncadd.s32 @!p0 $0xFFFFFFFF  }
0xb3: {  	s25 =	simm.s32 $0x1B8E;
	s24 =	sld [smem:$0x3FFE];
	[sflag:s5] =	ssyncadd.remote.s32 @!p0 $0x1  }
0xb4: {  	s26 =	simm.s32 $execute0_lowered;
	[smem:$0x3FD2] =	sst s25  }
0xb5: {  	s6 =	sshll.u32 s26, $0x1;
	_ =	strace $0x80000049;
	[dreg:$0x1] =	wrdreg $0xFFFFFFFF  }
0xb6: {  	s28 =	simm.s32 $_size_execute0_lowered;
	s4 =	sadd.s32 s4, s6;
	[dreg:$0x0] =	wrdreg $0x0  }
0xb7: {  	s6 =	sshll.u32 s28, $0x1;
	[dreg:$0x2] =	wrdreg s4  }
0xb8: {  	[dreg:$0x3] =	wrdreg s6  }
0xb9: {  	[dreg:$0x4] =	wrdreg $0xC0  }
0xba: {  	_ =	task [dreg:s22], $0x5FFFF  }
0xbb: {  	[dreg:$0x1] =	wrdreg $0xFFFFFFFF  }
0xbc: {  	[dreg:$0x0] =	wrdreg $0x60  }
0xbd: {  	[dreg:$0x2] =	wrdreg s18  }
0xbe: {  	[dreg:$0x3] =	wrdreg s24  }
0xbf: {  	[dreg:$0x4] =	wrdreg $0xA  }
0xc0: {  	_ =	task.clear_ibuf [dreg:s22], $0x5FFFF;
	_ =	strace $0x90000049  }
0xc1: {  	s29 =	simm.s32 $0xA;
	_ =	strace $0x8000004B  }
0xc2: {  	_ =	swait.ge [sflag:s29], $0x1  }
0xc3: {  	[sflag:s29] =	ssyncadd.s32 $0xFFFFFFFF  }
0xc4: {  	_ =	strace $0x9000004B  }
0xc5: {  	_ =	sfence  }
0xc6: {  	s30 =	sld [smem:$0x0];
	_ =	sdelay $0x2  }
0xc7: {  	s31 =	sshll.u32 s1, $0xD;
	s1 =	sshrl.u32 s1, $0x2  }
0xc8: {  	s4 =	sand.u32 $0x4000, s31;
	s1 =	sadd.s32 s1, s30  }
0xc9: {  	s0 =	sor.u32 s4, s0;
	s1 =	sshll.u32 s1, $0x11  }
0xca: {  	s0 =	sor.u32 s1, s0  }
0xcb: {  	s0 =	sadd.s32 $0x8F2B, s0  }
0xcc: {  	[sflag:s0] =	ssyncadd.remote.s32 $0x1  }
0xcd: {  	_ =	sfence.sel $0xFFFF  }
0xce: {  	[dreg:$0x0] =	wrdreg $0xFFFFFFFF;
	(pc) =	sbr.abs _section_cstart, $3  }
0xcf: {  	[dreg:$0x1] =	wrdreg $0xFFFFFFFF  }
0xd0: {  	_ =	task.clear_ibuf [dreg:s22], $0x2FFFF;
	_ =	strace $0x9FFFFFFF  }
0xd1: {  	(tm) =	ssettm $0x7FFFFFFF  }
tec
execute0_lowered:
.L_overlay_start_1:
0x0: {  	(tag) =	ssettag $0x1  }
0x1: {  	s2 =	rddreg [dreg:$0x0]  }
0x2: {  	s7 =	rddreg [dreg:$0x1]  }
0x3: {  	s0 =	rddreg [dreg:$0x2]  }
0x4: {  	s1 =	srdreg.scid;
	_ =	strace $0x8000004A;
	s4 =	simm.s32 $0x1  }
0x5: {  	s9 =	simm.s32 $0x3;
	s11 =	simm.s32 $0x0;
	s5 =	sshll.u32 s1, $0x4  }
.Ltmp0:
0x6: {  	s1 =	stileid.u32;
	s5 =	sand.u32 $0x10, s5;
	(pc) =	sbr.rel .LBB2_1-.Ltmp0, $4  }
0x7: {  	p0 =	por $0x0, $0x0;
	s3 =	sadd.s32 $0x50200, s7;
	s6 =	sor.u32 s1, s5  }
0x8: {  	[sflag:s4] =	ssyncpa.u1 $0x0;
	s5 =	simm.s32 $0x2;
	s6 =	sshll.u32 s6, $0xA  }
0x9: {  	s7 =	sadd.s32 $0xD1200, s7;
	[sflag:s5] =	ssyncpa.u1 $0x0;
	s8 =	sadd.s32 $0x400, s6  }
0xa: {  	vm0 =	vmmov $0xff;
	vm1 =	vcmask $0x3F20;
	[sflag:s9] =	ssyncpa.u1 $0x0;
	s10 =	smov.u32 s6;
	s9 =	simm.s32 $0x0  }
.LBB2_7:
0xb: {  	p1 =	slt.u32 s9, $0x2;
	s11 =	sadd.s32 $0x100, s10  }
0xc: {  	s13 =	smov.u32 s6;
	s9 =	sadd.s32 $0x1, s9;
	p2 =	slt.s32 s11, s8  }
0xd: {  	s13 =	smov.u32 @p2 s11;
	p2 =	sne.s32 s9, $0x6  }
.Ltmp1:
0xe: {  	_ = 	snop;
	(pc) =	sbr.rel @!p2 .LBB2_8-.Ltmp1, $4  }
0xf: {  	s12 =	simm.s32 @!p1 $0x3  }
0x10: {  	_ =	swait.ge @!p1 [sflag:s12], $0x8000  }
0x11: {  	p0 =	por !p0, !p0;
	[sflag:s12] =	ssyncset.done @!p1 $0x0  }
0x12: {  	s11 =	smov.u32 s10;
	s10 =	smov.u32 s13;
	[sflag:s12] =	ssyncadd.s32 @!p1 $0xFFFF8000  }
.LBB2_1:
0x13: {  	p1 =	sgt.u32 s9, $0x3  }
0x14: {  	s12 =	sxor.u32 @!p1 $0xFFFFFFFF, s9  }
0x15: {  	s13 =	sshrl.u32 @!p1 s10, $0x3;
	s12 =	sshll.u32 @!p1 s12, $0x8  }
0x16: {  	s14 =	sand.u32 @!p1 $0x7, s10;
	s13 =	sadd.s32 @!p1 s3, s13;
	s12 =	sand.u32 @!p1 $0x100, s12  }
0x17: {  	[tilespmem:s12], [sflag:$0x2] =	stream.linear.gather @!p1 [hbm4b:s13+s14], $0x100, $0x38;
	[tilespmem:$0x10200] =	vst v63  }
0x18: {  	p1 =	seq.s32 s9, $0x0  }
0x19: {  	p2 =	seq.s32 @!p1 s9, $0x5  }
0x1a: {  	p1 =	por p1, p2  }
.Ltmp2:
0x1b: {  	_ = 	snop;
	(pc) =	sbr.rel @p1 .LBB2_7-.Ltmp2, $1  }
0x1c: {  	_ =	sdelay $0x3  }
0x1d: {  	s12 =	simm.s32 $0x1  }
0x1e: {  	_ =	swait.ge [sflag:s5], $0x100;
	s12 =	simm.s32 @!p0 $0x0  }
0x1f: {  	[sflag:s5] =	ssyncset.done $0x0;
	s14 =	sshll.u32 s12, $0x8  }
0x20: {  	[sflag:s5] =	ssyncadd.s32 $0xFFFFFF00;
	s13 =	sadd.s32 $0x0, s14  }
0x21: {  	v0 =	vld.msk [tilespmem:s13+$0x0 ss:$0x1], $0xffff;
	_ =	sdelay $0x4  }
0x22: {  	vm2 =	vgt.s32 v0, $0x0  }
0x23: {  	v0 =	vnsel vm2, $0x0, v0  }
0x24: {  	v0 =	vmin.u32 v0, $0x4E1F  }
0x25: {  	v0 =	vshll.u32 v0, $0x4;
	_ =	sdelay $0x2  }
0x26: {  	s12 =	sshll.u32 s12, $0xF  }
0x27: {  	s12 =	sor.u32 $0x200, s12  }
0x28: {  	[tilespmem:s12], [sflag:$0x1] =	stream.indirect_vreg.gather [hbm:s2], $0x80, v0, vm0, $0x38;
	[tilespmem:$0x10200] =	vst v63  }
0x29: {  	s15 =	sadd.s32 $0x10, s14;
	s13 =	sadd.s32 $0x400, s12  }
0x2a: {  	[tilespmem:s13], [sflag:$0x1] =	stream.indirect_vreg.gather [hbm:s2], $0x80, v0, vm1, $0x38;
	[tilespmem:$0x10200] =	vst v63  }
0x2b: {  	s16 =	simm.s32 $0x80;
	v0 =	vld.msk [tilespmem:s15+$0x0 ss:$0x1], $0xffff;
	s15 =	smov.u32 s12  }
.LBB2_3:
0x2c: {  	p1 =	sne.s32 s16, $0x3C0;
	_ =	sdelay $0x4  }
0x2d: {  	vm2 =	vgt.s32 v0, $0x0  }
0x2e: {  	v0 =	vnsel vm2, $0x0, v0  }
0x2f: {  	v0 =	vmin.u32 v0, $0x4E1F  }
0x30: {  	v0 =	vshll.u32 v0, $0x4;
	_ =	sdelay $0x3  }
.Ltmp3:
0x31: {  	s17 =	sshra.s32 s16, $0x2;
	s15 =	sadd.s32 $0x800, s15;
	(pc) =	sbr.rel @p1 .LBB2_3-.Ltmp3, $4  }
0x32: {  	[tilespmem:s15], [sflag:$0x1] =	stream.indirect_vreg.gather [hbm:s2], $0x80, v0, vm0, $0x38;
	[tilespmem:$0x10200] =	vst v63  }
0x33: {  	s17 =	sadd.s32 s17, s14;
	s18 =	sadd.s32 $0x400, s15  }
0x34: {  	[tilespmem:s18], [sflag:$0x1] =	stream.indirect_vreg.gather [hbm:s2], $0x80, v0, vm1, $0x38;
	[tilespmem:$0x10200] =	vst v63  }
0x35: {  	s16 =	sadd.s32 $0x40, s16;
	v0 =	vld.msk [tilespmem:s17+$0x0 ss:$0x1], $0xffff  }
0x36: {  	_ =	sdelay $0x3  }
0x37: {  	vm2 =	vgt.s32 v0, $0x0  }
0x38: {  	v0 =	vnsel vm2, $0x0, v0  }
0x39: {  	v0 =	vmin.u32 v0, $0x4E1F  }
0x3a: {  	v0 =	vshll.u32 v0, $0x4;
	_ =	sdelay $0x3  }
0x3b: {  	s14 =	sadd.s32 $0x800, s15  }
0x3c: {  	[tilespmem:s14], [sflag:$0x1] =	stream.indirect_vreg.gather [hbm:s2], $0x80, v0, vm0, $0x38;
	[tilespmem:$0x10200] =	vst v63  }
0x3d: {  	s14 =	sadd.s32 $0x400, s14  }
0x3e: {  	[tilespmem:s14], [sflag:$0x1] =	stream.indirect_vreg.gather [hbm:s2], $0x80, v0, vm1, $0x38;
	[tilespmem:$0x10200] =	vst v63  }
0x3f: {  	s11 =	sshll.u32 s11, $0x4;
	_ =	swait.ge [sflag:s4], $0x8000  }
0x40: {  	s11 =	sadd.s32 s11, s7;
	[sflag:s4] =	ssyncset.done $0x0  }
0x41: {  	s15 =	sadd.s32 $0x0, s11;
	s14 =	simm.s32 $0x80;
	[sflag:s4] =	ssyncadd.s32 $0xFFFF8000  }
.LBB2_5:
0x42: {  	[hbm:s15] =	stream.linear.scatter [tilespmem:s12], [sflag:$0x3], $0x400, $0x38;
	[tilespmem:$0x10200] =	vst v63  }
0x43: {  	s15 =	smov.u32 s14;
	s12 =	smov.u32 s13;
	p1 =	sne.s32 s14, $0xF80  }
.Ltmp4:
0x44: {  	s14 =	sadd.s32 $0x80, s14;
	(pc) =	sbr.rel @p1 .LBB2_5-.Ltmp4, $2  }
0x45: {  	_ =	sdelay $0x2  }
0x46: {  	s13 =	sadd.s32 $0x400, s13;
	s15 =	sadd.s32 s15, s11  }
.Ltmp5:
0x47: {  	(pc) =	sbr.rel .LBB2_7-.Ltmp5, $2  }
0x48: {  	_ =	sdelay $0x2  }
0x49: {  	[hbm:s15] =	stream.linear.scatter [tilespmem:s12], [sflag:$0x3], $0x400, $0x38;
	[tilespmem:$0x10200] =	vst v63  }
.LBB2_8:
0x4a: {  	_ =	sfence.sel $0x180000  }
0x4b: {  	s2 =	simm.s32 $0x2;
	[bflag:$0x0] =	sbarrier.arrive $0xFFFF  }
0x4c: {  	s30 =	simm.s32 $0x3;
	[sflag:s2] =	ssyncpa.u1 $0x1  }
0x4d: {  	s31 =	simm.s32 $0x1;
	[sflag:s30] =	ssyncpa.u1 $0x1  }
0x4e: {  	[sflag:s31] =	ssyncpa.u1 $0x1  }
0x4f: {  	p0 =	sne.s32 s1, $0x0;
	_ =	strace $0x9000004A  }
0x50: {  	s0 =	sadd.s32 @!p0 $0x100000, s0;
	[bflag:$0x2] =	sbarrier.arrive $0xFFFF  }
0x51: {  	[sflag:s0] =	ssyncadd.tile.s32 @!p0 $0x1;
	_ =	shalt  }
.Lfunc_end2:
_tile_overlayer_lowered:
.L_overlay_start_2:
0x52: {  	(tag) =	ssettag $0x2  }
0x53: {  	s0 =	rddreg [dreg:$0x0];
	s2 =	stileid.u32  }
0x54: {  	s1 =	rddreg [dreg:$0x1];
	p0 =	sne.s32 s2, $0x0  }
0x55: {  	s3 =	rddreg [dreg:$0x2];
	[bflag:$0x3] =	sbarrier.arrive $0xFFFF;
	s2 =	simm.s32 @!p0 $0x1C01  }
0x56: {  	[timem:s3], [sflag:s2] =	dma.local @!p0 [hbm:s0], s1  }
0x57: {  	s0 =	simm.s32 @!p0 $0x1  }
0x58: {  	_ =	swait.ge @!p0 [sflag:s0], s1  }
0x59: {  	s1 =	ssub.s32 @!p0 $0x0, s1;
	[sflag:s0] =	ssyncset.done @!p0 $0x0  }
0x5a: {  	[sflag:s0] =	ssyncadd.s32 @!p0 s1  }
0x5b: {  	[bflag:$0x3] =	sbarrier.arrive $0xFFFF  }
0x5c: {  	_ =	shalt  }

// kernel: gather_offload_async_start
scs
__scs_entry_jumppad:
0x0: {  	(pc) =	sbr.rel $0x88, $3  }
0x1: {  	(tag) =	ssettag $0x0;
	lr =	simm.s32 $0x1  }
0x2: {  	[smem:$0x3F95] =	sst lr;
	_ =	strace $0xD0000000  }
0x3: {  	_ = 	snop  }
0x4: {  	_ = 	snop  }
0x5: {  	_ = 	snop  }
0x6: {  	_ = 	snop  }
0x7: {  	_ = 	snop  }
__scs_overlays_trampoline_lowered:
0x8: {  	[smem:$0x3FA4] =	sst s0  }
0x9: {  	[smem:$0x3FA5] =	sst s1  }
0xa: {  	[smem:$0x3FA6] =	sst s2  }
0xb: {  	[smem:$0x3FA7] =	sst s3  }
0xc: {  	[smem:$0x3FA8] =	sst s4  }
0xd: {  	[smem:$0x3FA9] =	sst s5  }
0xe: {  	[smem:$0x3FAA] =	sst s6  }
0xf: {  	[smem:$0x3FAB] =	sst s7  }
0x10: {  	[smem:$0x3FAC] =	sst s8  }
0x11: {  	[smem:$0x3FAD] =	sst s9;
	s0 =	simm.s32 @!p0 $0x0  }
0x12: {  	s1 =	sld [smem:$0x3F93];
	s0 =	simm.s32 @p0 $0x1  }
0x13: {  	[smem:$0x3FAE] =	sst s0;
	s0 =	simm.s32 @!p1 $0x0  }
0x14: {  	s2 =	sld [smem:$0x3F92];
	s0 =	simm.s32 @p1 $0x1  }
0x15: {  	[smem:$0x3FAF] =	sst s0;
	s0 =	simm.s32 @!p2 $0x0  }
0x16: {  	s3 =	sld [smem:$0x3FDB];
	s0 =	simm.s32 @p2 $0x1  }
0x17: {  	s4 =	simm.s32 $0x1BF5;
	[smem:$0x3FB1] =	sst s0  }
0x18: {  	s0 =	sld [smem:$0x3F94];
	_ =	swait.ge [sflag:s4], $0x0  }
0x19: {  	s7 =	sld [smem:$0x3F95]  }
0x1a: {  	s8 =	sadd.s32 $0xFFFFE003, lr  }
0x1b: {  	s9 =	sadd.s32 $0xFFFFFEF7, lr;
	s5 =	simm.s32 $0xFFFFFFFF;
	p2 =	slt.u32 s8, $0xFFFFF086  }
0x1c: {  	p1 =	slt.u32 s9, $0xF7A;
	s5 =	simm.s32 @!p2 $0x0  }
0x1d: {  	s5 =	simm.s32 @p1 $0x1;
	p0 =	seq.s32 s7, s2  }
0x1e: {  	s7 =	smul.u32 @!p0 $0xF7A, s2;
	p2 =	seq.s32 @!p0 s5, $0x0  }
0x1f: {  	s9 =	smul.u32 $0xF7A, s1;
	s8 =	simm.s32 @!p0 $0x1BF5;
	p2 =	por !p2, p0  }
0x20: {  	[sflag:s8] =	ssyncset.s32 @!p0 $0xFFFFF086;
	s6 =	sadd.s32 @!p0 s3, s7;
	s7 =	simm.s32 @!p0 $0x108  }
0x21: {  	s3 =	sadd.s32 s3, s9;
	s6 =	sadd.s32 @!p0 $0x88, s6;
	s7 =	simm.s32 @p2 $0x1082  }
0x22: {  	[simem:s7], [sflag:s8] =	dma.local @!p0 [hbm:s6], $0xF7A  }
0x23: {  	s9 =	sor.u32 $0xD0000000, s2;
	s6 =	simm.s32 $0x108;
	_ =	swait.ge @!p0 [sflag:s8], $0x0  }
0x24: {  	s3 =	sadd.s32 $0x88, s3;
	s6 =	simm.s32 @!p1 $0x1082;
	[sflag:s4] =	ssyncset.s32 $0xFFFFF086  }
0x25: {  	[simem:s6], [sflag:s4] =	dma.local [hbm:s3], $0xF7A  }
0x26: {  	[smem:$0x3F95] =	sst s1;
	(tag) =	ssettag s2;
	_ =	strace s9  }
0x27: {  	s1 =	sld [smem:$0x3FA5]  }
0x28: {  	s2 =	sld [smem:$0x3FA6]  }
0x29: {  	s4 =	sld [smem:$0x3FA8]  }
0x2a: {  	p0 =	seq.s32 s5, $0x0;
	s5 =	sld [smem:$0x3FA9]  }
0x2b: {  	s6 =	sld [smem:$0x3FAA]  }
0x2c: {  	s7 =	sld [smem:$0x3FAB]  }
0x2d: {  	s3 =	simm.s32 $0x108;
	s8 =	sld [smem:$0x3FAC]  }
0x2e: {  	s3 =	simm.s32 @!p0 $0x1082;
	s9 =	sld [smem:$0x3FAD]  }
0x2f: {  	lr =	sadd.s32 s0, s3;
	s0 =	sld [smem:$0x3FA4]  }
0x30: {  	s3 =	sld [smem:$0x3FA7]  }
0x31: {  	[smem:$0x3FB0] =	sst s10  }
0x32: {  	s10 =	sld [smem:$0x3FAE];
	_ =	sdelay $0x3  }
0x33: {  	p0 =	seq.s32 s10, $0x1;
	s10 =	sld [smem:$0x3FB0];
	_ =	sdelay $0x3  }
0x34: {  	[smem:$0x3FB0] =	sst s10  }
0x35: {  	s10 =	sld [smem:$0x3FAF];
	_ =	sdelay $0x3  }
0x36: {  	p1 =	seq.s32 s10, $0x1;
	s10 =	sld [smem:$0x3FB0];
	_ =	sdelay $0x3  }
0x37: {  	[smem:$0x3FB0] =	sst s10  }
0x38: {  	s10 =	sld [smem:$0x3FB1]  }
0x39: {  	_ = 	snop;
	(pc) =	sbr.ind lr, $3  }
0x3a: {  	_ = 	snop  }
0x3b: {  	_ = 	snop  }
0x3c: {  	p2 =	seq.s32 s10, $0x1;
	s10 =	sld [smem:$0x3FB0]  }
0x3d: {  	_ =	shalt  }
0x3e: {  	_ =	shalt  }
0x3f: {  	_ =	shalt  }
0x40: {  	_ =	shalt  }
0x41: {  	_ =	shalt  }
0x42: {  	_ =	shalt  }
0x43: {  	_ =	shalt  }
0x44: {  	_ =	shalt  }
0x45: {  	_ =	shalt  }
0x46: {  	_ =	shalt  }
0x47: {  	_ =	shalt  }
0x48: {  	_ =	shalt  }
0x49: {  	_ =	shalt  }
0x4a: {  	_ =	shalt  }
0x4b: {  	_ =	shalt  }
0x4c: {  	_ =	shalt  }
0x4d: {  	_ =	shalt  }
0x4e: {  	_ =	shalt  }
0x4f: {  	_ =	shalt  }
0x50: {  	_ =	shalt  }
0x51: {  	_ =	shalt  }
0x52: {  	_ =	shalt  }
0x53: {  	_ =	shalt  }
0x54: {  	_ =	shalt  }
0x55: {  	_ =	shalt  }
0x56: {  	_ =	shalt  }
0x57: {  	_ =	shalt  }
0x58: {  	_ =	shalt  }
0x59: {  	_ =	shalt  }
0x5a: {  	_ =	shalt  }
0x5b: {  	_ =	shalt  }
0x5c: {  	_ =	shalt  }
0x5d: {  	_ =	shalt  }
0x5e: {  	_ =	shalt  }
0x5f: {  	_ =	shalt  }
0x60: {  	_ =	shalt  }
0x61: {  	_ =	shalt  }
0x62: {  	_ =	shalt  }
0x63: {  	_ =	shalt  }
0x64: {  	_ =	shalt  }
0x65: {  	_ =	shalt  }
0x66: {  	_ =	shalt  }
0x67: {  	_ =	shalt  }
0x68: {  	_ =	shalt  }
0x69: {  	_ =	shalt  }
0x6a: {  	_ =	shalt  }
0x6b: {  	_ =	shalt  }
0x6c: {  	_ =	shalt  }
0x6d: {  	_ =	shalt  }
0x6e: {  	_ =	shalt  }
0x6f: {  	_ =	shalt  }
0x70: {  	_ =	shalt  }
0x71: {  	_ =	shalt  }
0x72: {  	_ =	shalt  }
0x73: {  	_ =	shalt  }
0x74: {  	_ =	shalt  }
0x75: {  	_ =	shalt  }
0x76: {  	_ =	shalt  }
0x77: {  	_ =	shalt  }
0x78: {  	_ =	shalt  }
0x79: {  	_ =	shalt  }
0x7a: {  	_ =	shalt  }
0x7b: {  	_ =	shalt  }
0x7c: {  	_ =	shalt  }
0x7d: {  	_ =	shalt  }
0x7e: {  	_ =	shalt  }
0x7f: {  	_ =	shalt  }
0x80: {  	_ =	shalt  }
0x81: {  	_ =	shalt  }
0x82: {  	_ =	shalt  }
0x83: {  	_ =	shalt  }
0x84: {  	_ =	shalt  }
0x85: {  	_ =	shalt  }
0x86: {  	_ =	shalt  }
0x87: {  	_ =	shalt  }
.Lfunc_end0:
.L_simem_size_0:
called_computation_lowered:
.L_overlay_start_0:
0x88: {  	s2 =	sld [smem:$0x3FD9]  }
0x89: {  	s3 =	sld [smem:$0x3FFE];
	_ =	sdelay $0x1  }
0x8a: {  	s1 =	srdreg.scid  }
0x8b: {  	s0 =	sand.u32 $0x1, s1  }
0x8c: {  	s16 =	sshll.u32 s0, $0xA;
	s2 =	sadd.s32 s3, s2  }
0x8d: {  	s2 =	sadd.s32 s2, s16  }
0x8e: {  	[smem:$0x3FBC] =	sst s2  }
0x8f: {  	_ = 	snop  }
0x90: {  	(tm) =	ssettm $0x1  }
0x91: {  	s17 =	sld [smem:$0x3FFB];
	_ =	sdelay $0x3  }
0x92: {  	_ =	strace s17  }
0x93: {  	s2 =	sld [smem:$0x3FFC];
	_ =	sdelay $0x3  }
0x94: {  	_ =	strace s2  }
0x95: {  	s2 =	sld [smem:$0x3FFD];
	_ =	sdelay $0x3  }
0x96: {  	_ =	strace s2  }
0x97: {  	_ =	strace $0x8FFFFFFF  }
0x98: {  	s18 =	sld [smem:$0x3FDB];
	_ =	sdelay $0x1  }
0x99: {  	s19 =	simm.s32 $_scs_section_size  }
0x9a: {  	s4 =	simm.s32 $_size__tile_overlayer_lowered;
	s5 =	simm.s32 $_tile_overlayer_lowered  }
0x9b: {  	s22 =	simm.s32 $0x1BFF;
	s21 =	sshll.u32 s5, $0x1;
	s2 =	sadd.s32 s19, s18  }
0x9c: {  	s6 =	simm.s32 $0x0;
	s20 =	sshll.u32 s4, $0x1;
	s4 =	sadd.s32 s21, s2  }
0x9d: {  	[timem:s6], [sflag:s22] =	dma.local [hbm:s4], s20  }
0x9e: {  	_ =	swait.ge [sflag:s22], s20  }
0x9f: {  	s3 =	ssub.s32 $0x0, s20;
	[sflag:s22] =	ssyncset.done $0x0  }
0xa0: {  	[sflag:s22] =	ssyncadd.s32 s3;
	_ =	sdelay $0x1  }
0xa1: {  	s23 =	simm.s32 $0x1B8B  }
0xa2: {  	_ =	swait.ge [sflag:s23], $0x1  }
0xa3: {  	[sflag:s23] =	ssyncset.done $0x0  }
0xa4: {  	s25 =	simm.s32 $0x1B8E;
	s24 =	sld [smem:$0x3FFE];
	[sflag:s23] =	ssyncadd.s32 $0xFFFFFFFF  }
0xa5: {  	s26 =	simm.s32 $execute0_lowered;
	[smem:$0x3FD2] =	sst s25  }
0xa6: {  	s4 =	sshll.u32 s26, $0x1;
	_ =	strace $0x80000046;
	[dreg:$0x1] =	wrdreg $0xFFFFFFFF  }
0xa7: {  	s28 =	simm.s32 $_size_execute0_lowered;
	s2 =	sadd.s32 s2, s4;
	[dreg:$0x0] =	wrdreg $0x0  }
0xa8: {  	s4 =	sshll.u32 s28, $0x1;
	[dreg:$0x2] =	wrdreg s2  }
0xa9: {  	[dreg:$0x3] =	wrdreg s4  }
0xaa: {  	[dreg:$0x4] =	wrdreg $0xC0  }
0xab: {  	_ =	task [dreg:s6], $0x5FFFF  }
0xac: {  	[dreg:$0x1] =	wrdreg $0xFFFFFFFF  }
0xad: {  	[dreg:$0x0] =	wrdreg $0x60  }
0xae: {  	[dreg:$0x2] =	wrdreg s24  }
0xaf: {  	[dreg:$0x3] =	wrdreg $0x9  }
0xb0: {  	_ =	task.clear_ibuf [dreg:s6], $0x4FFFF;
	_ =	strace $0x90000046  }
0xb1: {  	s29 =	simm.s32 $0x9;
	_ =	strace $0x80000048  }
0xb2: {  	_ =	swait.ge [sflag:s29], $0x1  }
0xb3: {  	[sflag:s29] =	ssyncadd.s32 $0xFFFFFFFF  }
0xb4: {  	_ =	strace $0x90000048  }
0xb5: {  	_ =	sfence  }
0xb6: {  	s30 =	sld [smem:$0x0];
	_ =	sdelay $0x2  }
0xb7: {  	s31 =	sshll.u32 s1, $0xD;
	s1 =	sshrl.u32 s1, $0x2  }
0xb8: {  	s3 =	sand.u32 $0x4000, s31;
	s1 =	sadd.s32 s1, s30  }
0xb9: {  	s0 =	sor.u32 s3, s0;
	s1 =	sshll.u32 s1, $0x11  }
0xba: {  	s0 =	sor.u32 s1, s0  }
0xbb: {  	s0 =	sadd.s32 $0x8F2B, s0  }
0xbc: {  	[sflag:s0] =	ssyncadd.remote.s32 $0x1  }
0xbd: {  	_ =	sfence.sel $0xFFFF  }
0xbe: {  	[dreg:$0x0] =	wrdreg $0xFFFFFFFF;
	(pc) =	sbr.abs _section_cstart, $3  }
0xbf: {  	[dreg:$0x1] =	wrdreg $0xFFFFFFFF  }
0xc0: {  	_ =	task.clear_ibuf [dreg:s6], $0x2FFFF;
	_ =	strace $0x9FFFFFFF  }
0xc1: {  	(tm) =	ssettm $0x7FFFFFFF  }
tec
execute0_lowered:
.L_overlay_start_1:
0x0: {  	(tag) =	ssettag $0x1  }
0x1: {  	s2 =	rddreg [dreg:$0x0]  }
0x2: {  	s0 =	rddreg [dreg:$0x1]  }
0x3: {  	s1 =	srdreg.scid;
	_ =	strace $0x80000047;
	s4 =	simm.s32 $0x1  }
0x4: {  	s9 =	simm.s32 $0x3;
	s11 =	simm.s32 $0x0;
	s5 =	sshll.u32 s1, $0x4  }
.Ltmp0:
0x5: {  	s1 =	stileid.u32;
	s5 =	sand.u32 $0x10, s5;
	(pc) =	sbr.rel .LBB2_1-.Ltmp0, $4  }
0x6: {  	p0 =	por $0x0, $0x0;
	s3 =	sadd.s32 $0x50200, s2;
	s6 =	sor.u32 s1, s5  }
0x7: {  	[sflag:s4] =	ssyncpa.u1 $0x0;
	s5 =	simm.s32 $0x2;
	s6 =	sshll.u32 s6, $0xA  }
0x8: {  	s7 =	sadd.s32 $0x51200, s2;
	[sflag:s5] =	ssyncpa.u1 $0x0;
	s8 =	sadd.s32 $0x400, s6  }
0x9: {  	vm0 =	vmmov $0xff;
	vm1 =	vcmask $0x3F20;
	[sflag:s9] =	ssyncpa.u1 $0x0;
	s10 =	smov.u32 s6;
	s9 =	simm.s32 $0x0  }
.LBB2_7:
0xa: {  	p1 =	slt.u32 s9, $0x2;
	s11 =	sadd.s32 $0x100, s10  }
0xb: {  	s13 =	smov.u32 s6;
	s9 =	sadd.s32 $0x1, s9;
	p2 =	slt.s32 s11, s8  }
0xc: {  	s13 =	smov.u32 @p2 s11;
	p2 =	sne.s32 s9, $0x6  }
.Ltmp1:
0xd: {  	_ = 	snop;
	(pc) =	sbr.rel @!p2 .LBB2_8-.Ltmp1, $4  }
0xe: {  	s12 =	simm.s32 @!p1 $0x3  }
0xf: {  	_ =	swait.ge @!p1 [sflag:s12], $0x8000  }
0x10: {  	p0 =	por !p0, !p0;
	[sflag:s12] =	ssyncset.done @!p1 $0x0  }
0x11: {  	s11 =	smov.u32 s10;
	s10 =	smov.u32 s13;
	[sflag:s12] =	ssyncadd.s32 @!p1 $0xFFFF8000  }
.LBB2_1:
0x12: {  	p1 =	sgt.u32 s9, $0x3  }
0x13: {  	s12 =	sxor.u32 @!p1 $0xFFFFFFFF, s9  }
0x14: {  	s13 =	sshrl.u32 @!p1 s10, $0x3;
	s12 =	sshll.u32 @!p1 s12, $0x8  }
0x15: {  	s14 =	sand.u32 @!p1 $0x7, s10;
	s13 =	sadd.s32 @!p1 s3, s13;
	s12 =	sand.u32 @!p1 $0x100, s12  }
0x16: {  	[tilespmem:s12], [sflag:$0x2] =	stream.linear.gather @!p1 [hbm4b:s13+s14], $0x100, $0x38;
	[tilespmem:$0x10200] =	vst v63  }
0x17: {  	p1 =	seq.s32 s9, $0x0  }
0x18: {  	p2 =	seq.s32 @!p1 s9, $0x5  }
0x19: {  	p1 =	por p1, p2  }
.Ltmp2:
0x1a: {  	_ = 	snop;
	(pc) =	sbr.rel @p1 .LBB2_7-.Ltmp2, $1  }
0x1b: {  	_ =	sdelay $0x3  }
0x1c: {  	s12 =	simm.s32 $0x1  }
0x1d: {  	_ =	swait.ge [sflag:s5], $0x100;
	s12 =	simm.s32 @!p0 $0x0  }
0x1e: {  	[sflag:s5] =	ssyncset.done $0x0;
	s14 =	sshll.u32 s12, $0x8  }
0x1f: {  	[sflag:s5] =	ssyncadd.s32 $0xFFFFFF00;
	s13 =	sadd.s32 $0x0, s14  }
0x20: {  	v0 =	vld.msk [tilespmem:s13+$0x0 ss:$0x1], $0xffff;
	_ =	sdelay $0x4  }
0x21: {  	vm2 =	vgt.s32 v0, $0x0  }
0x22: {  	v0 =	vnsel vm2, $0x0, v0  }
0x23: {  	v0 =	vmin.u32 v0, $0x4E1F  }
0x24: {  	v0 =	vshll.u32 v0, $0x4;
	_ =	sdelay $0x2  }
0x25: {  	s12 =	sshll.u32 s12, $0xF  }
0x26: {  	s12 =	sor.u32 $0x200, s12  }
0x27: {  	[tilespmem:s12], [sflag:$0x1] =	stream.indirect_vreg.gather [hbm:s2], $0x80, v0, vm0, $0x38;
	[tilespmem:$0x10200] =	vst v63  }
0x28: {  	s15 =	sadd.s32 $0x10, s14;
	s13 =	sadd.s32 $0x400, s12  }
0x29: {  	[tilespmem:s13], [sflag:$0x1] =	stream.indirect_vreg.gather [hbm:s2], $0x80, v0, vm1, $0x38;
	[tilespmem:$0x10200] =	vst v63  }
0x2a: {  	s16 =	simm.s32 $0x80;
	v0 =	vld.msk [tilespmem:s15+$0x0 ss:$0x1], $0xffff;
	s15 =	smov.u32 s12  }
.LBB2_3:
0x2b: {  	p1 =	sne.s32 s16, $0x3C0;
	_ =	sdelay $0x4  }
0x2c: {  	vm2 =	vgt.s32 v0, $0x0  }
0x2d: {  	v0 =	vnsel vm2, $0x0, v0  }
0x2e: {  	v0 =	vmin.u32 v0, $0x4E1F  }
0x2f: {  	v0 =	vshll.u32 v0, $0x4;
	_ =	sdelay $0x3  }
.Ltmp3:
0x30: {  	s17 =	sshra.s32 s16, $0x2;
	s15 =	sadd.s32 $0x800, s15;
	(pc) =	sbr.rel @p1 .LBB2_3-.Ltmp3, $4  }
0x31: {  	[tilespmem:s15], [sflag:$0x1] =	stream.indirect_vreg.gather [hbm:s2], $0x80, v0, vm0, $0x38;
	[tilespmem:$0x10200] =	vst v63  }
0x32: {  	s17 =	sadd.s32 s17, s14;
	s18 =	sadd.s32 $0x400, s15  }
0x33: {  	[tilespmem:s18], [sflag:$0x1] =	stream.indirect_vreg.gather [hbm:s2], $0x80, v0, vm1, $0x38;
	[tilespmem:$0x10200] =	vst v63  }
0x34: {  	s16 =	sadd.s32 $0x40, s16;
	v0 =	vld.msk [tilespmem:s17+$0x0 ss:$0x1], $0xffff  }
0x35: {  	_ =	sdelay $0x3  }
0x36: {  	vm2 =	vgt.s32 v0, $0x0  }
0x37: {  	v0 =	vnsel vm2, $0x0, v0  }
0x38: {  	v0 =	vmin.u32 v0, $0x4E1F  }
0x39: {  	v0 =	vshll.u32 v0, $0x4;
	_ =	sdelay $0x3  }
0x3a: {  	s14 =	sadd.s32 $0x800, s15  }
0x3b: {  	[tilespmem:s14], [sflag:$0x1] =	stream.indirect_vreg.gather [hbm:s2], $0x80, v0, vm0, $0x38;
	[tilespmem:$0x10200] =	vst v63  }
0x3c: {  	s14 =	sadd.s32 $0x400, s14  }
0x3d: {  	[tilespmem:s14], [sflag:$0x1] =	stream.indirect_vreg.gather [hbm:s2], $0x80, v0, vm1, $0x38;
	[tilespmem:$0x10200] =	vst v63  }
0x3e: {  	s11 =	sshll.u32 s11, $0x4;
	_ =	swait.ge [sflag:s4], $0x8000  }
0x3f: {  	s11 =	sadd.s32 s11, s7;
	[sflag:s4] =	ssyncset.done $0x0  }
0x40: {  	s15 =	sadd.s32 $0x0, s11;
	s14 =	simm.s32 $0x80;
	[sflag:s4] =	ssyncadd.s32 $0xFFFF8000  }
.LBB2_5:
0x41: {  	[hbm:s15] =	stream.linear.scatter [tilespmem:s12], [sflag:$0x3], $0x400, $0x38;
	[tilespmem:$0x10200] =	vst v63  }
0x42: {  	s15 =	smov.u32 s14;
	s12 =	smov.u32 s13;
	p1 =	sne.s32 s14, $0xF80  }
.Ltmp4:
0x43: {  	s14 =	sadd.s32 $0x80, s14;
	(pc) =	sbr.rel @p1 .LBB2_5-.Ltmp4, $2  }
0x44: {  	_ =	sdelay $0x2  }
0x45: {  	s13 =	sadd.s32 $0x400, s13;
	s15 =	sadd.s32 s15, s11  }
.Ltmp5:
0x46: {  	(pc) =	sbr.rel .LBB2_7-.Ltmp5, $2  }
0x47: {  	_ =	sdelay $0x2  }
0x48: {  	[hbm:s15] =	stream.linear.scatter [tilespmem:s12], [sflag:$0x3], $0x400, $0x38;
	[tilespmem:$0x10200] =	vst v63  }
.LBB2_8:
0x49: {  	_ =	sfence.sel $0x180000  }
0x4a: {  	s2 =	simm.s32 $0x2;
	[bflag:$0x0] =	sbarrier.arrive $0xFFFF  }
0x4b: {  	s30 =	simm.s32 $0x3;
	[sflag:s2] =	ssyncpa.u1 $0x1  }
0x4c: {  	s31 =	simm.s32 $0x1;
	[sflag:s30] =	ssyncpa.u1 $0x1  }
0x4d: {  	[sflag:s31] =	ssyncpa.u1 $0x1  }
0x4e: {  	p0 =	sne.s32 s1, $0x0;
	_ =	strace $0x90000047  }
0x4f: {  	s0 =	sadd.s32 @!p0 $0x100000, s0;
	[bflag:$0x2] =	sbarrier.arrive $0xFFFF  }
0x50: {  	[sflag:s0] =	ssyncadd.tile.s32 @!p0 $0x1;
	_ =	shalt  }
.Lfunc_end2:
_tile_overlayer_lowered:
.L_overlay_start_2:
0x51: {  	(tag) =	ssettag $0x2  }
0x52: {  	s0 =	rddreg [dreg:$0x0];
	s2 =	stileid.u32  }
0x53: {  	s1 =	rddreg [dreg:$0x1];
	p0 =	sne.s32 s2, $0x0  }
0x54: {  	s3 =	rddreg [dreg:$0x2];
	[bflag:$0x3] =	sbarrier.arrive $0xFFFF;
	s2 =	simm.s32 @!p0 $0x1C01  }
0x55: {  	[timem:s3], [sflag:s2] =	dma.local @!p0 [hbm:s0], s1  }
0x56: {  	s0 =	simm.s32 @!p0 $0x1  }
0x57: {  	_ =	swait.ge @!p0 [sflag:s0], s1  }
0x58: {  	s1 =	ssub.s32 @!p0 $0x0, s1;
	[sflag:s0] =	ssyncset.done @!p0 $0x0  }
0x59: {  	[sflag:s0] =	ssyncadd.s32 @!p0 s1  }
0x5a: {  	[bflag:$0x3] =	sbarrier.arrive $0xFFFF  }
0x5b: {  	_ =	shalt  }

</sc_bundles>
